<compile_context>
chip_gen: v7x
topology: tpu7x:2x2x1
jax: 0.10.2.dev20260603
libtpu: 0.0.44.dev20260713+nightly
codegen_flags: <defaults>
</compile_context>

<pallas_src>
import jax
import jax.numpy as jnp
from jax import lax
from jax.experimental import pallas as pl
from jax.experimental.pallas import tpu as pltpu
from jax.experimental.pallas import tpu_sc as plsc

NUM_EMB = 1000000
RANK = 16
EMB_DIM = 64
NB = 16384
NT = 26
NTP = 32
NC, NS = 2, 16
NW = NC * NS
B_PER_W = NB // NW
RP_PER_W = B_PER_W * NTP
GPB = 128
NG = RP_PER_W // GPB
CH_R = 1024
CH_G = CH_R // GPB
NCH = RP_PER_W // CH_R
GP_ROWS = NB * NTP

BLK_B = 256


def _sc_gather_body(idx_hbm, table_hbm, gpad_hbm, idx_v, buf0, gsem0):
    wid = lax.axis_index("s") * NC + lax.axis_index("c")
    pltpu.sync_copy(idx_hbm.at[pl.ds(wid * NG, NG)], idx_v)
    r0 = wid * RP_PER_W

    def step(c, carry):
        copies = []
        for g in range(CH_G):
            copies.append(
                pltpu.async_copy(
                    table_hbm.at[idx_v.at[c * CH_G + g]],
                    buf0.at[pl.ds(g * GPB, GPB)],
                    gsem0,
                )
            )
        for cp in copies:
            cp.wait()
        pltpu.sync_copy(buf0, gpad_hbm.at[pl.ds(r0 + c * CH_R, CH_R)])
        return carry

    lax.fori_loop(0, NCH, step, 0)


@jax.jit
def _sc_gather(idx2d, table):
    mesh = plsc.VectorSubcoreMesh(core_axis_name="c", subcore_axis_name="s")
    return pl.kernel(
        _sc_gather_body,
        out_type=jax.ShapeDtypeStruct((GP_ROWS, RANK), jnp.float32),
        mesh=mesh,
        scratch_types=[
            pltpu.VMEM((NG, GPB), jnp.int32),
            pltpu.VMEM((CH_R, RANK), jnp.float32),
            pltpu.SemaphoreType.DMA,
        ],
        compiler_params=pltpu.CompilerParams(use_tc_tiling_on_sc=False),
    )(idx2d, table)


WIDE = 128
RPW = WIDE // RANK
GW_ROWS = GP_ROWS // RPW
MM_BLK = 512


def _mm_body(g_ref, bd_ref, o_ref):
    o_ref[...] = jnp.dot(
        g_ref[...], bd_ref[...], preferred_element_type=jnp.float32
    )


@jax.jit
def _tc_project(gpad, b):
    g_wide = gpad.reshape(GW_ROWS, WIDE)
    eye8 = jnp.eye(RPW, dtype=jnp.float32)
    bd = jnp.einsum("st,kd->sktd", eye8, b).reshape(WIDE, RPW * EMB_DIM)
    y = pl.pallas_call(
        _mm_body,
        grid=(GW_ROWS // MM_BLK,),
        in_specs=[
            pl.BlockSpec((MM_BLK, WIDE), lambda i: (i, 0)),
            pl.BlockSpec((WIDE, RPW * EMB_DIM), lambda i: (0, 0)),
        ],
        out_specs=pl.BlockSpec((MM_BLK, RPW * EMB_DIM), lambda i: (i, 0)),
        out_shape=jax.ShapeDtypeStruct((GW_ROWS, RPW * EMB_DIM), jnp.float32),
    )(g_wide, bd)
    return y.reshape(NB, NTP, EMB_DIM)[:, :NT, :]


def kernel(idx, A, B):
    idx32 = idx.astype(jnp.int32)
    idx_pad = jnp.concatenate([idx32, idx32[:, :NTP - NT]], axis=1)
    idx2d = idx_pad.reshape(GP_ROWS // GPB, GPB)
    gpad = _sc_gather(idx2d, A)
    return _tc_project(gpad, B)

# --- scband reference (transcript-rebuilt; emitter-appended) ---
"""Pipeline reference for scband-low-rank-embedding-26225070310002 (READ-ONLY COPY).

The authoritative reference and input builder live on the scoring server;
editing this copy changes nothing except your own understanding.
"""

import jax, jax.numpy as jnp
import numpy as np

NUM_EMB = 1000000
EMB_DIM = 64
RANK = 16

def setup_inputs(seed: int = 0) -> dict:
    key = jax.random.key(seed)
    k_idx, k_a, k_b = jax.random.split(key, 3)
    idx = jax.random.randint(k_idx, (16384, 26), 0, NUM_EMB, dtype=jnp.int64) if jax.config.jax_enable_x64 else jax.random.randint(k_idx, (16384, 26), 0, NUM_EMB, dtype=jnp.int32)
    A = jax.random.normal(k_a, (NUM_EMB, RANK), dtype=jnp.float32) * 0.02
    B = jax.random.normal(k_b, (RANK, EMB_DIM), dtype=jnp.float32) * 0.02
    return {"idx": idx, "A": A, "B": B}

def reference(idx, A, B):
    # E[i] = A[i] @ B ; F.embedding(idx, A) -> gather rows, then matmul with B
    gathered = jnp.take(A, idx, axis=0)  # [16384, 26, RANK]
    return gathered @ B  # [16384, 26, EMB_DIM]

if __name__ == "__main__":
    import jax
    _d = setup_inputs()
    print(jax.jit(kernel)(*tuple(_d.values())))

</pallas_src>

<mosaic_0001>
#map = affine_map<(d0, d1) -> (0, 0)>
module attributes {stable_mosaic.version = 14 : i64} {
  func.func @_sc_gather_body(%arg0: i32, %arg1: i32, %arg2: memref<4096x128xi32, #tpu.memory_space<hbm>>, %arg3: memref<1000000x16xf32, #tpu.memory_space<hbm>>, %arg4: memref<524288x16xf32, #tpu.memory_space<hbm>>, %arg5: memref<128x128xi32, #tpu.memory_space<vmem>>, %arg6: memref<1024x16xf32, #tpu.memory_space<vmem>>, %arg7: memref<!tpu.dma_semaphore, #tpu.memory_space<semaphore_mem>>) attributes {dimension_semantics = [#tpu.dimension_semantics<core_parallel>, #tpu.dimension_semantics<subcore_parallel>], iteration_bounds = array<i64: 2, 16>, scalar_prefetch = 0 : i64, scratch_operands = 3 : i64, tpu.core_type = #tpu.core_type<sc_vector_subcore>, window_params = [{transform_indices = #map}, {transform_indices = #map}, {transform_indices = #map}]} {
    %mul3A = arith.constant 2 : i32
    %mul3A_0 = arith.muli %arg1, %mul3A : i32
    %add3A = arith.addi %mul3A_0, %arg0 : i32
    %mul3A_1 = arith.constant 128 : i32
    %mul3A_2 = arith.muli %add3A, %mul3A_1 : i32
    "tpu.region"() ({
      %run_scoped3A = tpu.sem_alloc : memref<!tpu.dma_semaphore, #tpu.memory_space<semaphore_mem>>
      %dma_start3A = arith.constant 0 : i32
      %dma_start3A_10 = tpu.memref_slice %arg2[%mul3A_2, %dma_start3A] : memref<4096x128xi32, #tpu.memory_space<hbm>> -> memref<128x128xi32, #tpu.memory_space<hbm>>
      %dma_start3A_11 = arith.constant 0 : i32
      %dma_start3A_12 = tpu.memref_slice %arg2[%mul3A_2, %dma_start3A_11] : memref<4096x128xi32, #tpu.memory_space<hbm>> -> memref<128x128xi32, #tpu.memory_space<hbm>>
      tpu.enqueue_dma source(%dma_start3A_12 : memref<128x128xi32, #tpu.memory_space<hbm>>) target(%arg5 : memref<128x128xi32, #tpu.memory_space<vmem>>) target_semaphore(%run_scoped3A : memref<!tpu.dma_semaphore, #tpu.memory_space<semaphore_mem>>)
      %dma_wait3A = arith.constant 0 : i32
      %dma_wait3A_13 = tpu.memref_slice %arg2[%mul3A_2, %dma_wait3A] : memref<4096x128xi32, #tpu.memory_space<hbm>> -> memref<128x128xi32, #tpu.memory_space<hbm>>
      %dma_wait3A_14 = arith.constant 0 : i32
      %dma_wait3A_15 = tpu.memref_slice %arg2[%mul3A_2, %dma_wait3A_14] : memref<4096x128xi32, #tpu.memory_space<hbm>> -> memref<128x128xi32, #tpu.memory_space<hbm>>
      tpu.wait_dma2 semaphore(%run_scoped3A : memref<!tpu.dma_semaphore, #tpu.memory_space<semaphore_mem>>) src(%dma_wait3A_15 : memref<128x128xi32, #tpu.memory_space<hbm>>) dst(%arg5 : memref<128x128xi32, #tpu.memory_space<vmem>>)
      tpu.yield
    }) : () -> ()
    %mul3A_3 = arith.constant 16384 : i32
    %mul3A_4 = arith.muli %add3A, %mul3A_3 : i32
    %scan3A = arith.constant 0 : i32
    %scan3A_5 = arith.constant 0 : i32
    %scan3A_6 = arith.constant 16 : i32
    %scan3A_7 = arith.addi %scan3A_5, %scan3A_6 : i32
    %scan3A_8 = arith.constant 1 : i32
    scf.for %scan3A_10 = %scan3A_5 to %scan3A_7 step %scan3A_8  : i32 {
      %mul3A_11 = arith.constant 8 : i32
      %mul3A_12 = arith.muli %scan3A_10, %mul3A_11 : i32
      %add3A_13 = arith.constant 0 : i32
      %add3A_14 = arith.addi %mul3A_12, %add3A_13 : i32
      %dma_start3A = arith.constant 0 : i32
      %dma_start3A_15 = arith.constant 0 : i32
      %dma_start3A_16 = tpu.memref_slice %arg6[%dma_start3A, %dma_start3A_15] : memref<1024x16xf32, #tpu.memory_space<vmem>> -> memref<128x16xf32, #tpu.memory_space<vmem>>
      %dma_start3A_17 = arith.constant 0 : i32
      %dma_start3A_18 = tpu.memref_slice %arg5[%add3A_14, %dma_start3A_17] : memref<128x128xi32, #tpu.memory_space<vmem>> -> memref<1x128xi32, #tpu.memory_space<vmem>>
      %dma_start3A_19 = tpu.memref_squeeze %dma_start3A_18 : memref<1x128xi32, #tpu.memory_space<vmem>> -> memref<128xi32, #tpu.memory_space<vmem>>
      %dma_start3A_20 = arith.constant 0 : i32
      %dma_start3A_21 = arith.constant 0 : i32
      %dma_start3A_22 = tpu.memref_slice %arg3[%dma_start3A_20, %dma_start3A_21] : memref<1000000x16xf32, #tpu.memory_space<hbm>> -> memref<1000000x16xf32, #tpu.memory_space<hbm>>
      tpu.enqueue_indirect_dma source(%dma_start3A_22 : memref<1000000x16xf32, #tpu.memory_space<hbm>>) target(%dma_start3A_16 : memref<128x16xf32, #tpu.memory_space<vmem>>) offsets(%dma_start3A_19 : memref<128xi32, #tpu.memory_space<vmem>>) semaphore(%arg7 : memref<!tpu.dma_semaphore, #tpu.memory_space<semaphore_mem>>)
      %mul3A_23 = arith.constant 8 : i32
      %mul3A_24 = arith.muli %scan3A_10, %mul3A_23 : i32
      %add3A_25 = arith.constant 1 : i32
      %add3A_26 = arith.addi %mul3A_24, %add3A_25 : i32
      %dma_start3A_27 = arith.constant 128 : i32
      %dma_start3A_28 = arith.constant 0 : i32
      %dma_start3A_29 = tpu.memref_slice %arg6[%dma_start3A_27, %dma_start3A_28] : memref<1024x16xf32, #tpu.memory_space<vmem>> -> memref<128x16xf32, #tpu.memory_space<vmem>>
      %dma_start3A_30 = arith.constant 0 : i32
      %dma_start3A_31 = tpu.memref_slice %arg5[%add3A_26, %dma_start3A_30] : memref<128x128xi32, #tpu.memory_space<vmem>> -> memref<1x128xi32, #tpu.memory_space<vmem>>
      %dma_start3A_32 = tpu.memref_squeeze %dma_start3A_31 : memref<1x128xi32, #tpu.memory_space<vmem>> -> memref<128xi32, #tpu.memory_space<vmem>>
      %dma_start3A_33 = arith.constant 0 : i32
      %dma_start3A_34 = arith.constant 0 : i32
      %dma_start3A_35 = tpu.memref_slice %arg3[%dma_start3A_33, %dma_start3A_34] : memref<1000000x16xf32, #tpu.memory_space<hbm>> -> memref<1000000x16xf32, #tpu.memory_space<hbm>>
      tpu.enqueue_indirect_dma source(%dma_start3A_35 : memref<1000000x16xf32, #tpu.memory_space<hbm>>) target(%dma_start3A_29 : memref<128x16xf32, #tpu.memory_space<vmem>>) offsets(%dma_start3A_32 : memref<128xi32, #tpu.memory_space<vmem>>) semaphore(%arg7 : memref<!tpu.dma_semaphore, #tpu.memory_space<semaphore_mem>>)
      %mul3A_36 = arith.constant 8 : i32
      %mul3A_37 = arith.muli %scan3A_10, %mul3A_36 : i32
      %add3A_38 = arith.constant 2 : i32
      %add3A_39 = arith.addi %mul3A_37, %add3A_38 : i32
      %dma_start3A_40 = arith.constant 256 : i32
      %dma_start3A_41 = arith.constant 0 : i32
      %dma_start3A_42 = tpu.memref_slice %arg6[%dma_start3A_40, %dma_start3A_41] : memref<1024x16xf32, #tpu.memory_space<vmem>> -> memref<128x16xf32, #tpu.memory_space<vmem>>
      %dma_start3A_43 = arith.constant 0 : i32
      %dma_start3A_44 = tpu.memref_slice %arg5[%add3A_39, %dma_start3A_43] : memref<128x128xi32, #tpu.memory_space<vmem>> -> memref<1x128xi32, #tpu.memory_space<vmem>>
      %dma_start3A_45 = tpu.memref_squeeze %dma_start3A_44 : memref<1x128xi32, #tpu.memory_space<vmem>> -> memref<128xi32, #tpu.memory_space<vmem>>
      %dma_start3A_46 = arith.constant 0 : i32
      %dma_start3A_47 = arith.constant 0 : i32
      %dma_start3A_48 = tpu.memref_slice %arg3[%dma_start3A_46, %dma_start3A_47] : memref<1000000x16xf32, #tpu.memory_space<hbm>> -> memref<1000000x16xf32, #tpu.memory_space<hbm>>
      tpu.enqueue_indirect_dma source(%dma_start3A_48 : memref<1000000x16xf32, #tpu.memory_space<hbm>>) target(%dma_start3A_42 : memref<128x16xf32, #tpu.memory_space<vmem>>) offsets(%dma_start3A_45 : memref<128xi32, #tpu.memory_space<vmem>>) semaphore(%arg7 : memref<!tpu.dma_semaphore, #tpu.memory_space<semaphore_mem>>)
      %mul3A_49 = arith.constant 8 : i32
      %mul3A_50 = arith.muli %scan3A_10, %mul3A_49 : i32
      %add3A_51 = arith.constant 3 : i32
      %add3A_52 = arith.addi %mul3A_50, %add3A_51 : i32
      %dma_start3A_53 = arith.constant 384 : i32
      %dma_start3A_54 = arith.constant 0 : i32
      %dma_start3A_55 = tpu.memref_slice %arg6[%dma_start3A_53, %dma_start3A_54] : memref<1024x16xf32, #tpu.memory_space<vmem>> -> memref<128x16xf32, #tpu.memory_space<vmem>>
      %dma_start3A_56 = arith.constant 0 : i32
      %dma_start3A_57 = tpu.memref_slice %arg5[%add3A_52, %dma_start3A_56] : memref<128x128xi32, #tpu.memory_space<vmem>> -> memref<1x128xi32, #tpu.memory_space<vmem>>
      %dma_start3A_58 = tpu.memref_squeeze %dma_start3A_57 : memref<1x128xi32, #tpu.memory_space<vmem>> -> memref<128xi32, #tpu.memory_space<vmem>>
      %dma_start3A_59 = arith.constant 0 : i32
      %dma_start3A_60 = arith.constant 0 : i32
      %dma_start3A_61 = tpu.memref_slice %arg3[%dma_start3A_59, %dma_start3A_60] : memref<1000000x16xf32, #tpu.memory_space<hbm>> -> memref<1000000x16xf32, #tpu.memory_space<hbm>>
      tpu.enqueue_indirect_dma source(%dma_start3A_61 : memref<1000000x16xf32, #tpu.memory_space<hbm>>) target(%dma_start3A_55 : memref<128x16xf32, #tpu.memory_space<vmem>>) offsets(%dma_start3A_58 : memref<128xi32, #tpu.memory_space<vmem>>) semaphore(%arg7 : memref<!tpu.dma_semaphore, #tpu.memory_space<semaphore_mem>>)
      %mul3A_62 = arith.constant 8 : i32
      %mul3A_63 = arith.muli %scan3A_10, %mul3A_62 : i32
      %add3A_64 = arith.constant 4 : i32
      %add3A_65 = arith.addi %mul3A_63, %add3A_64 : i32
      %dma_start3A_66 = arith.constant 512 : i32
      %dma_start3A_67 = arith.constant 0 : i32
      %dma_start3A_68 = tpu.memref_slice %arg6[%dma_start3A_66, %dma_start3A_67] : memref<1024x16xf32, #tpu.memory_space<vmem>> -> memref<128x16xf32, #tpu.memory_space<vmem>>
      %dma_start3A_69 = arith.constant 0 : i32
      %dma_start3A_70 = tpu.memref_slice %arg5[%add3A_65, %dma_start3A_69] : memref<128x128xi32, #tpu.memory_space<vmem>> -> memref<1x128xi32, #tpu.memory_space<vmem>>
      %dma_start3A_71 = tpu.memref_squeeze %dma_start3A_70 : memref<1x128xi32, #tpu.memory_space<vmem>> -> memref<128xi32, #tpu.memory_space<vmem>>
      %dma_start3A_72 = arith.constant 0 : i32
      %dma_start3A_73 = arith.constant 0 : i32
      %dma_start3A_74 = tpu.memref_slice %arg3[%dma_start3A_72, %dma_start3A_73] : memref<1000000x16xf32, #tpu.memory_space<hbm>> -> memref<1000000x16xf32, #tpu.memory_space<hbm>>
      tpu.enqueue_indirect_dma source(%dma_start3A_74 : memref<1000000x16xf32, #tpu.memory_space<hbm>>) target(%dma_start3A_68 : memref<128x16xf32, #tpu.memory_space<vmem>>) offsets(%dma_start3A_71 : memref<128xi32, #tpu.memory_space<vmem>>) semaphore(%arg7 : memref<!tpu.dma_semaphore, #tpu.memory_space<semaphore_mem>>)
      %mul3A_75 = arith.constant 8 : i32
      %mul3A_76 = arith.muli %scan3A_10, %mul3A_75 : i32
      %add3A_77 = arith.constant 5 : i32
      %add3A_78 = arith.addi %mul3A_76, %add3A_77 : i32
      %dma_start3A_79 = arith.constant 640 : i32
      %dma_start3A_80 = arith.constant 0 : i32
      %dma_start3A_81 = tpu.memref_slice %arg6[%dma_start3A_79, %dma_start3A_80] : memref<1024x16xf32, #tpu.memory_space<vmem>> -> memref<128x16xf32, #tpu.memory_space<vmem>>
      %dma_start3A_82 = arith.constant 0 : i32
      %dma_start3A_83 = tpu.memref_slice %arg5[%add3A_78, %dma_start3A_82] : memref<128x128xi32, #tpu.memory_space<vmem>> -> memref<1x128xi32, #tpu.memory_space<vmem>>
      %dma_start3A_84 = tpu.memref_squeeze %dma_start3A_83 : memref<1x128xi32, #tpu.memory_space<vmem>> -> memref<128xi32, #tpu.memory_space<vmem>>
      %dma_start3A_85 = arith.constant 0 : i32
      %dma_start3A_86 = arith.constant 0 : i32
      %dma_start3A_87 = tpu.memref_slice %arg3[%dma_start3A_85, %dma_start3A_86] : memref<1000000x16xf32, #tpu.memory_space<hbm>> -> memref<1000000x16xf32, #tpu.memory_space<hbm>>
      tpu.enqueue_indirect_dma source(%dma_start3A_87 : memref<1000000x16xf32, #tpu.memory_space<hbm>>) target(%dma_start3A_81 : memref<128x16xf32, #tpu.memory_space<vmem>>) offsets(%dma_start3A_84 : memref<128xi32, #tpu.memory_space<vmem>>) semaphore(%arg7 : memref<!tpu.dma_semaphore, #tpu.memory_space<semaphore_mem>>)
      %mul3A_88 = arith.constant 8 : i32
      %mul3A_89 = arith.muli %scan3A_10, %mul3A_88 : i32
      %add3A_90 = arith.constant 6 : i32
      %add3A_91 = arith.addi %mul3A_89, %add3A_90 : i32
      %dma_start3A_92 = arith.constant 768 : i32
      %dma_start3A_93 = arith.constant 0 : i32
      %dma_start3A_94 = tpu.memref_slice %arg6[%dma_start3A_92, %dma_start3A_93] : memref<1024x16xf32, #tpu.memory_space<vmem>> -> memref<128x16xf32, #tpu.memory_space<vmem>>
      %dma_start3A_95 = arith.constant 0 : i32
      %dma_start3A_96 = tpu.memref_slice %arg5[%add3A_91, %dma_start3A_95] : memref<128x128xi32, #tpu.memory_space<vmem>> -> memref<1x128xi32, #tpu.memory_space<vmem>>
      %dma_start3A_97 = tpu.memref_squeeze %dma_start3A_96 : memref<1x128xi32, #tpu.memory_space<vmem>> -> memref<128xi32, #tpu.memory_space<vmem>>
      %dma_start3A_98 = arith.constant 0 : i32
      %dma_start3A_99 = arith.constant 0 : i32
      %dma_start3A_100 = tpu.memref_slice %arg3[%dma_start3A_98, %dma_start3A_99] : memref<1000000x16xf32, #tpu.memory_space<hbm>> -> memref<1000000x16xf32, #tpu.memory_space<hbm>>
      tpu.enqueue_indirect_dma source(%dma_start3A_100 : memref<1000000x16xf32, #tpu.memory_space<hbm>>) target(%dma_start3A_94 : memref<128x16xf32, #tpu.memory_space<vmem>>) offsets(%dma_start3A_97 : memref<128xi32, #tpu.memory_space<vmem>>) semaphore(%arg7 : memref<!tpu.dma_semaphore, #tpu.memory_space<semaphore_mem>>)
      %mul3A_101 = arith.constant 8 : i32
      %mul3A_102 = arith.muli %scan3A_10, %mul3A_101 : i32
      %add3A_103 = arith.constant 7 : i32
      %add3A_104 = arith.addi %mul3A_102, %add3A_103 : i32
      %dma_start3A_105 = arith.constant 896 : i32
      %dma_start3A_106 = arith.constant 0 : i32
      %dma_start3A_107 = tpu.memref_slice %arg6[%dma_start3A_105, %dma_start3A_106] : memref<1024x16xf32, #tpu.memory_space<vmem>> -> memref<128x16xf32, #tpu.memory_space<vmem>>
      %dma_start3A_108 = arith.constant 0 : i32
      %dma_start3A_109 = tpu.memref_slice %arg5[%add3A_104, %dma_start3A_108] : memref<128x128xi32, #tpu.memory_space<vmem>> -> memref<1x128xi32, #tpu.memory_space<vmem>>
      %dma_start3A_110 = tpu.memref_squeeze %dma_start3A_109 : memref<1x128xi32, #tpu.memory_space<vmem>> -> memref<128xi32, #tpu.memory_space<vmem>>
      %dma_start3A_111 = arith.constant 0 : i32
      %dma_start3A_112 = arith.constant 0 : i32
      %dma_start3A_113 = tpu.memref_slice %arg3[%dma_start3A_111, %dma_start3A_112] : memref<1000000x16xf32, #tpu.memory_space<hbm>> -> memref<1000000x16xf32, #tpu.memory_space<hbm>>
      tpu.enqueue_indirect_dma source(%dma_start3A_113 : memref<1000000x16xf32, #tpu.memory_space<hbm>>) target(%dma_start3A_107 : memref<128x16xf32, #tpu.memory_space<vmem>>) offsets(%dma_start3A_110 : memref<128xi32, #tpu.memory_space<vmem>>) semaphore(%arg7 : memref<!tpu.dma_semaphore, #tpu.memory_space<semaphore_mem>>)
      %dma_wait3A = arith.constant 0 : i32
      %dma_wait3A_114 = arith.constant 0 : i32
      %dma_wait3A_115 = tpu.memref_slice %arg6[%dma_wait3A, %dma_wait3A_114] : memref<1024x16xf32, #tpu.memory_space<vmem>> -> memref<128x16xf32, #tpu.memory_space<vmem>>
      %dma_wait3A_116 = arith.constant 0 : i32
      %dma_wait3A_117 = tpu.memref_slice %arg5[%add3A_14, %dma_wait3A_116] : memref<128x128xi32, #tpu.memory_space<vmem>> -> memref<1x128xi32, #tpu.memory_space<vmem>>
      %dma_wait3A_118 = tpu.memref_squeeze %dma_wait3A_117 : memref<1x128xi32, #tpu.memory_space<vmem>> -> memref<128xi32, #tpu.memory_space<vmem>>
      %dma_wait3A_119 = arith.constant 0 : i32
      %dma_wait3A_120 = arith.constant 0 : i32
      %dma_wait3A_121 = tpu.memref_slice %arg3[%dma_wait3A_119, %dma_wait3A_120] : memref<1000000x16xf32, #tpu.memory_space<hbm>> -> memref<1000000x16xf32, #tpu.memory_space<hbm>>
      tpu.wait_indirect_dma semaphore(%arg7 : memref<!tpu.dma_semaphore, #tpu.memory_space<semaphore_mem>>) src(%dma_wait3A_121 : memref<1000000x16xf32, #tpu.memory_space<hbm>>) dst(%dma_wait3A_115 : memref<128x16xf32, #tpu.memory_space<vmem>>)
      %dma_wait3A_122 = arith.constant 128 : i32
      %dma_wait3A_123 = arith.constant 0 : i32
      %dma_wait3A_124 = tpu.memref_slice %arg6[%dma_wait3A_122, %dma_wait3A_123] : memref<1024x16xf32, #tpu.memory_space<vmem>> -> memref<128x16xf32, #tpu.memory_space<vmem>>
      %dma_wait3A_125 = arith.constant 0 : i32
      %dma_wait3A_126 = tpu.memref_slice %arg5[%add3A_26, %dma_wait3A_125] : memref<128x128xi32, #tpu.memory_space<vmem>> -> memref<1x128xi32, #tpu.memory_space<vmem>>
      %dma_wait3A_127 = tpu.memref_squeeze %dma_wait3A_126 : memref<1x128xi32, #tpu.memory_space<vmem>> -> memref<128xi32, #tpu.memory_space<vmem>>
      %dma_wait3A_128 = arith.constant 0 : i32
      %dma_wait3A_129 = arith.constant 0 : i32
      %dma_wait3A_130 = tpu.memref_slice %arg3[%dma_wait3A_128, %dma_wait3A_129] : memref<1000000x16xf32, #tpu.memory_space<hbm>> -> memref<1000000x16xf32, #tpu.memory_space<hbm>>
      tpu.wait_indirect_dma semaphore(%arg7 : memref<!tpu.dma_semaphore, #tpu.memory_space<semaphore_mem>>) src(%dma_wait3A_130 : memref<1000000x16xf32, #tpu.memory_space<hbm>>) dst(%dma_wait3A_124 : memref<128x16xf32, #tpu.memory_space<vmem>>)
      %dma_wait3A_131 = arith.constant 256 : i32
      %dma_wait3A_132 = arith.constant 0 : i32
      %dma_wait3A_133 = tpu.memref_slice %arg6[%dma_wait3A_131, %dma_wait3A_132] : memref<1024x16xf32, #tpu.memory_space<vmem>> -> memref<128x16xf32, #tpu.memory_space<vmem>>
      %dma_wait3A_134 = arith.constant 0 : i32
      %dma_wait3A_135 = tpu.memref_slice %arg5[%add3A_39, %dma_wait3A_134] : memref<128x128xi32, #tpu.memory_space<vmem>> -> memref<1x128xi32, #tpu.memory_space<vmem>>
      %dma_wait3A_136 = tpu.memref_squeeze %dma_wait3A_135 : memref<1x128xi32, #tpu.memory_space<vmem>> -> memref<128xi32, #tpu.memory_space<vmem>>
      %dma_wait3A_137 = arith.constant 0 : i32
      %dma_wait3A_138 = arith.constant 0 : i32
      %dma_wait3A_139 = tpu.memref_slice %arg3[%dma_wait3A_137, %dma_wait3A_138] : memref<1000000x16xf32, #tpu.memory_space<hbm>> -> memref<1000000x16xf32, #tpu.memory_space<hbm>>
      tpu.wait_indirect_dma semaphore(%arg7 : memref<!tpu.dma_semaphore, #tpu.memory_space<semaphore_mem>>) src(%dma_wait3A_139 : memref<1000000x16xf32, #tpu.memory_space<hbm>>) dst(%dma_wait3A_133 : memref<128x16xf32, #tpu.memory_space<vmem>>)
      %dma_wait3A_140 = arith.constant 384 : i32
      %dma_wait3A_141 = arith.constant 0 : i32
      %dma_wait3A_142 = tpu.memref_slice %arg6[%dma_wait3A_140, %dma_wait3A_141] : memref<1024x16xf32, #tpu.memory_space<vmem>> -> memref<128x16xf32, #tpu.memory_space<vmem>>
      %dma_wait3A_143 = arith.constant 0 : i32
      %dma_wait3A_144 = tpu.memref_slice %arg5[%add3A_52, %dma_wait3A_143] : memref<128x128xi32, #tpu.memory_space<vmem>> -> memref<1x128xi32, #tpu.memory_space<vmem>>
      %dma_wait3A_145 = tpu.memref_squeeze %dma_wait3A_144 : memref<1x128xi32, #tpu.memory_space<vmem>> -> memref<128xi32, #tpu.memory_space<vmem>>
      %dma_wait3A_146 = arith.constant 0 : i32
      %dma_wait3A_147 = arith.constant 0 : i32
      %dma_wait3A_148 = tpu.memref_slice %arg3[%dma_wait3A_146, %dma_wait3A_147] : memref<1000000x16xf32, #tpu.memory_space<hbm>> -> memref<1000000x16xf32, #tpu.memory_space<hbm>>
      tpu.wait_indirect_dma semaphore(%arg7 : memref<!tpu.dma_semaphore, #tpu.memory_space<semaphore_mem>>) src(%dma_wait3A_148 : memref<1000000x16xf32, #tpu.memory_space<hbm>>) dst(%dma_wait3A_142 : memref<128x16xf32, #tpu.memory_space<vmem>>)
      %dma_wait3A_149 = arith.constant 512 : i32
      %dma_wait3A_150 = arith.constant 0 : i32
      %dma_wait3A_151 = tpu.memref_slice %arg6[%dma_wait3A_149, %dma_wait3A_150] : memref<1024x16xf32, #tpu.memory_space<vmem>> -> memref<128x16xf32, #tpu.memory_space<vmem>>
      %dma_wait3A_152 = arith.constant 0 : i32
      %dma_wait3A_153 = tpu.memref_slice %arg5[%add3A_65, %dma_wait3A_152] : memref<128x128xi32, #tpu.memory_space<vmem>> -> memref<1x128xi32, #tpu.memory_space<vmem>>
      %dma_wait3A_154 = tpu.memref_squeeze %dma_wait3A_153 : memref<1x128xi32, #tpu.memory_space<vmem>> -> memref<128xi32, #tpu.memory_space<vmem>>
      %dma_wait3A_155 = arith.constant 0 : i32
      %dma_wait3A_156 = arith.constant 0 : i32
      %dma_wait3A_157 = tpu.memref_slice %arg3[%dma_wait3A_155, %dma_wait3A_156] : memref<1000000x16xf32, #tpu.memory_space<hbm>> -> memref<1000000x16xf32, #tpu.memory_space<hbm>>
      tpu.wait_indirect_dma semaphore(%arg7 : memref<!tpu.dma_semaphore, #tpu.memory_space<semaphore_mem>>) src(%dma_wait3A_157 : memref<1000000x16xf32, #tpu.memory_space<hbm>>) dst(%dma_wait3A_151 : memref<128x16xf32, #tpu.memory_space<vmem>>)
      %dma_wait3A_158 = arith.constant 640 : i32
      %dma_wait3A_159 = arith.constant 0 : i32
      %dma_wait3A_160 = tpu.memref_slice %arg6[%dma_wait3A_158, %dma_wait3A_159] : memref<1024x16xf32, #tpu.memory_space<vmem>> -> memref<128x16xf32, #tpu.memory_space<vmem>>
      %dma_wait3A_161 = arith.constant 0 : i32
      %dma_wait3A_162 = tpu.memref_slice %arg5[%add3A_78, %dma_wait3A_161] : memref<128x128xi32, #tpu.memory_space<vmem>> -> memref<1x128xi32, #tpu.memory_space<vmem>>
      %dma_wait3A_163 = tpu.memref_squeeze %dma_wait3A_162 : memref<1x128xi32, #tpu.memory_space<vmem>> -> memref<128xi32, #tpu.memory_space<vmem>>
      %dma_wait3A_164 = arith.constant 0 : i32
      %dma_wait3A_165 = arith.constant 0 : i32
      %dma_wait3A_166 = tpu.memref_slice %arg3[%dma_wait3A_164, %dma_wait3A_165] : memref<1000000x16xf32, #tpu.memory_space<hbm>> -> memref<1000000x16xf32, #tpu.memory_space<hbm>>
      tpu.wait_indirect_dma semaphore(%arg7 : memref<!tpu.dma_semaphore, #tpu.memory_space<semaphore_mem>>) src(%dma_wait3A_166 : memref<1000000x16xf32, #tpu.memory_space<hbm>>) dst(%dma_wait3A_160 : memref<128x16xf32, #tpu.memory_space<vmem>>)
      %dma_wait3A_167 = arith.constant 768 : i32
      %dma_wait3A_168 = arith.constant 0 : i32
      %dma_wait3A_169 = tpu.memref_slice %arg6[%dma_wait3A_167, %dma_wait3A_168] : memref<1024x16xf32, #tpu.memory_space<vmem>> -> memref<128x16xf32, #tpu.memory_space<vmem>>
      %dma_wait3A_170 = arith.constant 0 : i32
      %dma_wait3A_171 = tpu.memref_slice %arg5[%add3A_91, %dma_wait3A_170] : memref<128x128xi32, #tpu.memory_space<vmem>> -> memref<1x128xi32, #tpu.memory_space<vmem>>
      %dma_wait3A_172 = tpu.memref_squeeze %dma_wait3A_171 : memref<1x128xi32, #tpu.memory_space<vmem>> -> memref<128xi32, #tpu.memory_space<vmem>>
      %dma_wait3A_173 = arith.constant 0 : i32
      %dma_wait3A_174 = arith.constant 0 : i32
      %dma_wait3A_175 = tpu.memref_slice %arg3[%dma_wait3A_173, %dma_wait3A_174] : memref<1000000x16xf32, #tpu.memory_space<hbm>> -> memref<1000000x16xf32, #tpu.memory_space<hbm>>
      tpu.wait_indirect_dma semaphore(%arg7 : memref<!tpu.dma_semaphore, #tpu.memory_space<semaphore_mem>>) src(%dma_wait3A_175 : memref<1000000x16xf32, #tpu.memory_space<hbm>>) dst(%dma_wait3A_169 : memref<128x16xf32, #tpu.memory_space<vmem>>)
      %dma_wait3A_176 = arith.constant 896 : i32
      %dma_wait3A_177 = arith.constant 0 : i32
      %dma_wait3A_178 = tpu.memref_slice %arg6[%dma_wait3A_176, %dma_wait3A_177] : memref<1024x16xf32, #tpu.memory_space<vmem>> -> memref<128x16xf32, #tpu.memory_space<vmem>>
      %dma_wait3A_179 = arith.constant 0 : i32
      %dma_wait3A_180 = tpu.memref_slice %arg5[%add3A_104, %dma_wait3A_179] : memref<128x128xi32, #tpu.memory_space<vmem>> -> memref<1x128xi32, #tpu.memory_space<vmem>>
      %dma_wait3A_181 = tpu.memref_squeeze %dma_wait3A_180 : memref<1x128xi32, #tpu.memory_space<vmem>> -> memref<128xi32, #tpu.memory_space<vmem>>
      %dma_wait3A_182 = arith.constant 0 : i32
      %dma_wait3A_183 = arith.constant 0 : i32
      %dma_wait3A_184 = tpu.memref_slice %arg3[%dma_wait3A_182, %dma_wait3A_183] : memref<1000000x16xf32, #tpu.memory_space<hbm>> -> memref<1000000x16xf32, #tpu.memory_space<hbm>>
      tpu.wait_indirect_dma semaphore(%arg7 : memref<!tpu.dma_semaphore, #tpu.memory_space<semaphore_mem>>) src(%dma_wait3A_184 : memref<1000000x16xf32, #tpu.memory_space<hbm>>) dst(%dma_wait3A_178 : memref<128x16xf32, #tpu.memory_space<vmem>>)
      %mul3A_185 = arith.constant 1024 : i32
      %mul3A_186 = arith.muli %scan3A_10, %mul3A_185 : i32
      %add3A_187 = arith.addi %mul3A_4, %mul3A_186 : i32
      "tpu.region"() ({
        %run_scoped3A = tpu.sem_alloc : memref<!tpu.dma_semaphore, #tpu.memory_space<semaphore_mem>>
        %dma_start3A_188 = arith.constant 0 : i32
        %dma_start3A_189 = tpu.memref_slice %arg4[%add3A_187, %dma_start3A_188] : memref<524288x16xf32, #tpu.memory_space<hbm>> -> memref<1024x16xf32, #tpu.memory_space<hbm>>
        %dma_start3A_190 = arith.constant 0 : i32
        %dma_start3A_191 = tpu.memref_slice %arg4[%add3A_187, %dma_start3A_190] : memref<524288x16xf32, #tpu.memory_space<hbm>> -> memref<1024x16xf32, #tpu.memory_space<hbm>>
        tpu.enqueue_dma source(%arg6 : memref<1024x16xf32, #tpu.memory_space<vmem>>) target(%dma_start3A_191 : memref<1024x16xf32, #tpu.memory_space<hbm>>) target_semaphore(%run_scoped3A : memref<!tpu.dma_semaphore, #tpu.memory_space<semaphore_mem>>)
        %dma_wait3A_192 = arith.constant 0 : i32
        %dma_wait3A_193 = tpu.memref_slice %arg4[%add3A_187, %dma_wait3A_192] : memref<524288x16xf32, #tpu.memory_space<hbm>> -> memref<1024x16xf32, #tpu.memory_space<hbm>>
        %dma_wait3A_194 = arith.constant 0 : i32
        %dma_wait3A_195 = tpu.memref_slice %arg4[%add3A_187, %dma_wait3A_194] : memref<524288x16xf32, #tpu.memory_space<hbm>> -> memref<1024x16xf32, #tpu.memory_space<hbm>>
        tpu.wait_dma2 semaphore(%run_scoped3A : memref<!tpu.dma_semaphore, #tpu.memory_space<semaphore_mem>>) src(%arg6 : memref<1024x16xf32, #tpu.memory_space<vmem>>) dst(%dma_wait3A_195 : memref<1024x16xf32, #tpu.memory_space<hbm>>)
        tpu.yield
      }) : () -> ()
    }
    %scan3A_9 = arith.constant 16 : i32
    return
  }
}

</mosaic_0001>

<sc_bundles>
// kernel: _sc_gather.3.cloned.1.call-start
scs
__scs_entry_jumppad:
0x0: {  	(pc) =	sbr.rel $0x88, $3  }
0x1: {  	(tag) =	ssettag $0x0;
	lr =	simm.s32 $0x1  }
0x2: {  	[smem:$0x3F9F] =	sst lr;
	_ =	strace $0xD0000000  }
0x3: {  	_ = 	snop  }
0x4: {  	_ = 	snop  }
0x5: {  	_ = 	snop  }
0x6: {  	_ = 	snop  }
0x7: {  	_ = 	snop  }
__scs_overlays_trampoline_lowered:
0x8: {  	[smem:$0x3FAE] =	sst s0  }
0x9: {  	[smem:$0x3FAF] =	sst s1  }
0xa: {  	[smem:$0x3FB0] =	sst s2  }
0xb: {  	[smem:$0x3FB1] =	sst s3  }
0xc: {  	[smem:$0x3FB2] =	sst s4  }
0xd: {  	[smem:$0x3FB3] =	sst s5  }
0xe: {  	[smem:$0x3FB4] =	sst s6  }
0xf: {  	[smem:$0x3FB5] =	sst s7  }
0x10: {  	[smem:$0x3FB6] =	sst s8  }
0x11: {  	[smem:$0x3FB7] =	sst s9;
	s0 =	simm.s32 @!p0 $0x0  }
0x12: {  	s1 =	sld [smem:$0x3F9D];
	s0 =	simm.s32 @p0 $0x1  }
0x13: {  	[smem:$0x3FB8] =	sst s0;
	s0 =	simm.s32 @!p1 $0x0  }
0x14: {  	s2 =	sld [smem:$0x3F9C];
	s0 =	simm.s32 @p1 $0x1  }
0x15: {  	[smem:$0x3FB9] =	sst s0;
	s0 =	simm.s32 @!p2 $0x0  }
0x16: {  	s3 =	sld [smem:$0x3FDB];
	s0 =	simm.s32 @p2 $0x1  }
0x17: {  	s4 =	simm.s32 $0x1BF5;
	[smem:$0x3FBB] =	sst s0  }
0x18: {  	s0 =	sld [smem:$0x3F9E];
	_ =	swait.ge [sflag:s4], $0x0  }
0x19: {  	s7 =	sld [smem:$0x3F9F]  }
0x1a: {  	s8 =	sadd.s32 $0xFFFFE003, lr  }
0x1b: {  	s9 =	sadd.s32 $0xFFFFFEF7, lr;
	s5 =	simm.s32 $0xFFFFFFFF;
	p2 =	slt.u32 s8, $0xFFFFF086  }
0x1c: {  	p1 =	slt.u32 s9, $0xF7A;
	s5 =	simm.s32 @!p2 $0x0  }
0x1d: {  	s5 =	simm.s32 @p1 $0x1;
	p0 =	seq.s32 s7, s2  }
0x1e: {  	s7 =	smul.u32 @!p0 $0xF7A, s2;
	p2 =	seq.s32 @!p0 s5, $0x0  }
0x1f: {  	s9 =	smul.u32 $0xF7A, s1;
	s8 =	simm.s32 @!p0 $0x1BF5;
	p2 =	por !p2, p0  }
0x20: {  	[sflag:s8] =	ssyncset.s32 @!p0 $0xFFFFF086;
	s6 =	sadd.s32 @!p0 s3, s7;
	s7 =	simm.s32 @!p0 $0x108  }
0x21: {  	s3 =	sadd.s32 s3, s9;
	s6 =	sadd.s32 @!p0 $0x88, s6;
	s7 =	simm.s32 @p2 $0x1082  }
0x22: {  	[simem:s7], [sflag:s8] =	dma.local @!p0 [hbm:s6], $0xF7A  }
0x23: {  	s9 =	sor.u32 $0xD0000000, s2;
	s6 =	simm.s32 $0x108;
	_ =	swait.ge @!p0 [sflag:s8], $0x0  }
0x24: {  	s3 =	sadd.s32 $0x88, s3;
	s6 =	simm.s32 @!p1 $0x1082;
	[sflag:s4] =	ssyncset.s32 $0xFFFFF086  }
0x25: {  	[simem:s6], [sflag:s4] =	dma.local [hbm:s3], $0xF7A  }
0x26: {  	[smem:$0x3F9F] =	sst s1;
	(tag) =	ssettag s2;
	_ =	strace s9  }
0x27: {  	s1 =	sld [smem:$0x3FAF]  }
0x28: {  	s2 =	sld [smem:$0x3FB0]  }
0x29: {  	s4 =	sld [smem:$0x3FB2]  }
0x2a: {  	p0 =	seq.s32 s5, $0x0;
	s5 =	sld [smem:$0x3FB3]  }
0x2b: {  	s6 =	sld [smem:$0x3FB4]  }
0x2c: {  	s7 =	sld [smem:$0x3FB5]  }
0x2d: {  	s3 =	simm.s32 $0x108;
	s8 =	sld [smem:$0x3FB6]  }
0x2e: {  	s3 =	simm.s32 @!p0 $0x1082;
	s9 =	sld [smem:$0x3FB7]  }
0x2f: {  	lr =	sadd.s32 s0, s3;
	s0 =	sld [smem:$0x3FAE]  }
0x30: {  	s3 =	sld [smem:$0x3FB1]  }
0x31: {  	[smem:$0x3FBA] =	sst s10  }
0x32: {  	s10 =	sld [smem:$0x3FB8];
	_ =	sdelay $0x3  }
0x33: {  	p0 =	seq.s32 s10, $0x1;
	s10 =	sld [smem:$0x3FBA];
	_ =	sdelay $0x3  }
0x34: {  	[smem:$0x3FBA] =	sst s10  }
0x35: {  	s10 =	sld [smem:$0x3FB9];
	_ =	sdelay $0x3  }
0x36: {  	p1 =	seq.s32 s10, $0x1;
	s10 =	sld [smem:$0x3FBA];
	_ =	sdelay $0x3  }
0x37: {  	[smem:$0x3FBA] =	sst s10  }
0x38: {  	s10 =	sld [smem:$0x3FBB]  }
0x39: {  	_ = 	snop;
	(pc) =	sbr.ind lr, $3  }
0x3a: {  	_ = 	snop  }
0x3b: {  	_ = 	snop  }
0x3c: {  	p2 =	seq.s32 s10, $0x1;
	s10 =	sld [smem:$0x3FBA]  }
0x3d: {  	_ =	shalt  }
0x3e: {  	_ =	shalt  }
0x3f: {  	_ =	shalt  }
0x40: {  	_ =	shalt  }
0x41: {  	_ =	shalt  }
0x42: {  	_ =	shalt  }
0x43: {  	_ =	shalt  }
0x44: {  	_ =	shalt  }
0x45: {  	_ =	shalt  }
0x46: {  	_ =	shalt  }
0x47: {  	_ =	shalt  }
0x48: {  	_ =	shalt  }
0x49: {  	_ =	shalt  }
0x4a: {  	_ =	shalt  }
0x4b: {  	_ =	shalt  }
0x4c: {  	_ =	shalt  }
0x4d: {  	_ =	shalt  }
0x4e: {  	_ =	shalt  }
0x4f: {  	_ =	shalt  }
0x50: {  	_ =	shalt  }
0x51: {  	_ =	shalt  }
0x52: {  	_ =	shalt  }
0x53: {  	_ =	shalt  }
0x54: {  	_ =	shalt  }
0x55: {  	_ =	shalt  }
0x56: {  	_ =	shalt  }
0x57: {  	_ =	shalt  }
0x58: {  	_ =	shalt  }
0x59: {  	_ =	shalt  }
0x5a: {  	_ =	shalt  }
0x5b: {  	_ =	shalt  }
0x5c: {  	_ =	shalt  }
0x5d: {  	_ =	shalt  }
0x5e: {  	_ =	shalt  }
0x5f: {  	_ =	shalt  }
0x60: {  	_ =	shalt  }
0x61: {  	_ =	shalt  }
0x62: {  	_ =	shalt  }
0x63: {  	_ =	shalt  }
0x64: {  	_ =	shalt  }
0x65: {  	_ =	shalt  }
0x66: {  	_ =	shalt  }
0x67: {  	_ =	shalt  }
0x68: {  	_ =	shalt  }
0x69: {  	_ =	shalt  }
0x6a: {  	_ =	shalt  }
0x6b: {  	_ =	shalt  }
0x6c: {  	_ =	shalt  }
0x6d: {  	_ =	shalt  }
0x6e: {  	_ =	shalt  }
0x6f: {  	_ =	shalt  }
0x70: {  	_ =	shalt  }
0x71: {  	_ =	shalt  }
0x72: {  	_ =	shalt  }
0x73: {  	_ =	shalt  }
0x74: {  	_ =	shalt  }
0x75: {  	_ =	shalt  }
0x76: {  	_ =	shalt  }
0x77: {  	_ =	shalt  }
0x78: {  	_ =	shalt  }
0x79: {  	_ =	shalt  }
0x7a: {  	_ =	shalt  }
0x7b: {  	_ =	shalt  }
0x7c: {  	_ =	shalt  }
0x7d: {  	_ =	shalt  }
0x7e: {  	_ =	shalt  }
0x7f: {  	_ =	shalt  }
0x80: {  	_ =	shalt  }
0x81: {  	_ =	shalt  }
0x82: {  	_ =	shalt  }
0x83: {  	_ =	shalt  }
0x84: {  	_ =	shalt  }
0x85: {  	_ =	shalt  }
0x86: {  	_ =	shalt  }
0x87: {  	_ =	shalt  }
.Lfunc_end0:
.L_simem_size_0:
called_computation.1_lowered:
.L_overlay_start_0:
0x88: {  	s2 =	sld [smem:$0x3FD9]  }
0x89: {  	s3 =	sld [smem:$0x3FFE];
	_ =	sdelay $0x1  }
0x8a: {  	s1 =	srdreg.scid  }
0x8b: {  	s0 =	sand.u32 $0x1, s1  }
0x8c: {  	s17 =	sshll.u32 s0, $0xA;
	s2 =	sadd.s32 s3, s2  }
0x8d: {  	s2 =	sadd.s32 s2, s17  }
0x8e: {  	[smem:$0x3FC6] =	sst s2  }
0x8f: {  	_ = 	snop  }
0x90: {  	s2 =	sld [smem:$0x3FC9]  }
0x91: {  	s18 =	sld [smem:$0x3FD0];
	(tm) =	ssettm $0x1  }
0x92: {  	s4 =	sld [smem:$0x3FFB];
	_ =	sdelay $0x3  }
0x93: {  	_ =	strace s4  }
0x94: {  	s4 =	sld [smem:$0x3FFC];
	_ =	sdelay $0x3  }
0x95: {  	_ =	strace s4  }
0x96: {  	s4 =	sld [smem:$0x3FFD];
	_ =	sdelay $0x3  }
0x97: {  	_ =	strace s4  }
0x98: {  	_ =	strace $0x8FFFFFFF  }
0x99: {  	s19 =	sld [smem:$0x3FDB];
	_ =	sdelay $0x1  }
0x9a: {  	s5 =	simm.s32 $_scs_section_size  }
0x9b: {  	s6 =	simm.s32 $_size__tile_overlayer_lowered;
	s7 =	simm.s32 $_tile_overlayer_lowered  }
0x9c: {  	s22 =	simm.s32 $0x1BFF;
	s21 =	sshll.u32 s7, $0x1;
	s4 =	sadd.s32 s5, s19  }
0x9d: {  	s8 =	simm.s32 $0x0;
	s20 =	sshll.u32 s6, $0x1;
	s6 =	sadd.s32 s21, s4  }
0x9e: {  	[timem:s8], [sflag:s22] =	dma.local [hbm:s6], s20  }
0x9f: {  	_ =	swait.ge [sflag:s22], s20  }
0xa0: {  	s5 =	ssub.s32 $0x0, s20;
	[sflag:s22] =	ssyncset.done $0x0  }
0xa1: {  	[sflag:s22] =	ssyncadd.s32 s5;
	_ =	sdelay $0x1  }
0xa2: {  	s23 =	simm.s32 $0x1B8B  }
0xa3: {  	_ =	swait.ge [sflag:s23], $0x1  }
0xa4: {  	[sflag:s23] =	ssyncset.done $0x0  }
0xa5: {  	s25 =	simm.s32 $0x1B8E;
	s24 =	sld [smem:$0x3FFE];
	[sflag:s23] =	ssyncadd.s32 $0xFFFFFFFF  }
0xa6: {  	s26 =	simm.s32 $execute0_lowered;
	[smem:$0x3FD2] =	sst s25  }
0xa7: {  	s6 =	sshll.u32 s26, $0x1;
	_ =	strace $0x80000046;
	[dreg:$0x1] =	wrdreg $0xFFFFFFFF  }
0xa8: {  	s28 =	simm.s32 $_size_execute0_lowered;
	s4 =	sadd.s32 s4, s6;
	[dreg:$0x0] =	wrdreg $0x0  }
0xa9: {  	s6 =	sshll.u32 s28, $0x1;
	[dreg:$0x2] =	wrdreg s4  }
0xaa: {  	[dreg:$0x3] =	wrdreg s6  }
0xab: {  	[dreg:$0x4] =	wrdreg $0xC0  }
0xac: {  	_ =	task [dreg:s8], $0x5FFFF  }
0xad: {  	[dreg:$0x1] =	wrdreg $0xFFFFFFFF  }
0xae: {  	[dreg:$0x0] =	wrdreg $0x60  }
0xaf: {  	[dreg:$0x2] =	wrdreg s2  }
0xb0: {  	[dreg:$0x3] =	wrdreg s24  }
0xb1: {  	[dreg:$0x4] =	wrdreg s18  }
0xb2: {  	[dreg:$0x5] =	wrdreg $0x9  }
0xb3: {  	_ =	task.clear_ibuf [dreg:s8], $0x6FFFF;
	_ =	strace $0x90000046  }
0xb4: {  	s29 =	simm.s32 $0x9;
	_ =	strace $0x80000048  }
0xb5: {  	_ =	swait.ge [sflag:s29], $0x1  }
0xb6: {  	[sflag:s29] =	ssyncadd.s32 $0xFFFFFFFF  }
0xb7: {  	_ =	strace $0x90000048  }
0xb8: {  	_ =	sfence  }
0xb9: {  	s30 =	sld [smem:$0x0];
	_ =	sdelay $0x2  }
0xba: {  	s31 =	sshll.u32 s1, $0xD;
	s1 =	sshrl.u32 s1, $0x2  }
0xbb: {  	s3 =	sand.u32 $0x4000, s31;
	s1 =	sadd.s32 s1, s30  }
0xbc: {  	s0 =	sor.u32 s3, s0;
	s1 =	sshll.u32 s1, $0x11  }
0xbd: {  	s0 =	sor.u32 s1, s0  }
0xbe: {  	s0 =	sadd.s32 $0x8F2B, s0  }
0xbf: {  	[sflag:s0] =	ssyncadd.remote.s32 $0x1  }
0xc0: {  	_ =	sfence.sel $0xFFFF  }
0xc1: {  	[dreg:$0x0] =	wrdreg $0xFFFFFFFF;
	(pc) =	sbr.abs _section_cstart, $3  }
0xc2: {  	[dreg:$0x1] =	wrdreg $0xFFFFFFFF  }
0xc3: {  	_ =	task.clear_ibuf [dreg:s8], $0x2FFFF;
	_ =	strace $0x9FFFFFFF  }
0xc4: {  	(tm) =	ssettm $0x7FFFFFFF  }
0xc5: {  	_ =	shalt  }
tec
execute0_lowered:
.L_overlay_start_1:
0x0: {  	(tag) =	ssettag $0x1  }
0x1: {  	s4 =	rddreg [dreg:$0x0]  }
0x2: {  	s2 =	rddreg [dreg:$0x1]  }
0x3: {  	s5 =	rddreg [dreg:$0x2]  }
0x4: {  	s3 =	srdreg.scid;
	s0 =	rddreg [dreg:$0x3]  }
0x5: {  	s1 =	simm.s32 $0x0;
	s11 =	simm.s32 $0x5000;
	s12 =	simm.s32 $0x5800  }
0x6: {  	s13 =	simm.s32 $0x6000;
	s14 =	simm.s32 $0x6800;
	s15 =	simm.s32 $0x7000  }
0x7: {  	s16 =	simm.s32 $0x7800;
	s17 =	simm.s32 $0x1;
	s18 =	simm.s32 $0x0  }
0x8: {  	s6 =	sand.u32 $0x1, s3;
	[smem:$0x7FF] =	sst s1;
	s3 =	sadd.s32 $0xF42C00, s2  }
0x9: {  	s2 =	stileid.u32;
	s7 =	ssub.s32 $0x2, s6;
	_ =	strace $0x80000047  }
0xa: {  	s30 =	sshll.u32 s2, $0xC;
	s9 =	sshll.u32 s6, $0xB;
	s10 =	sshll.u32 s2, $0x10  }
0xb: {  	s6 =	sshll.u32 s6, $0xF;
	s8 =	sshrl.u32 s7, $0x1;
	s31 =	sadd.s32 s10, s5  }
0xc: {  	s10 =	simm.s32 $0x4800;
	s7 =	ssub.s32 s7, s8;
	s8 =	sor.u32 s9, s30  }
0xd: {  	s6 =	sadd.s32 s6, s31;
	s9 =	simm.s32 $0x4000;
	s4 =	sadd.s32 s4, s8  }
0xe: {  	s5 =	smax.u32 s7, $0x1;
	s7 =	simm.s32 $0x2;
	s8 =	simm.s32 $0x80  }
.LBB2_1:
0xf: {  	[tilespmem:s1], [sflag:$0x2] =	stream.linear.gather [hbm4b:s4+s1], $0x4000, $0x38;
	[tilespmem:$0x8000] =	vst v63  }
0x10: {  	_ =	swait.ge [sflag:s7], $0x4000  }
0x11: {  	[sflag:s7] =	ssyncset.done $0x0  }
0x12: {  	s19 =	simm.s32 $0x0;
	[sflag:s7] =	ssyncadd.s32 $0xFFFFC000  }
0x13: {  	[tilespmem:s9], [sflag:$0x1] =	stream.indirect.gather [hbm4b:s3+s8], $0x10, s19, s8, $0xb8;
	[tilespmem:$0x8000] =	vst v63  }
0x14: {  	s24 =	simm.s32 $0x80  }
0x15: {  	[tilespmem:s10], [sflag:$0x1] =	stream.indirect.gather [hbm4b:s3+s8], $0x10, s24, s8, $0xb8;
	[tilespmem:$0x8000] =	vst v63  }
0x16: {  	s25 =	simm.s32 $0x100  }
0x17: {  	[tilespmem:s11], [sflag:$0x1] =	stream.indirect.gather [hbm4b:s3+s8], $0x10, s25, s8, $0xb8;
	[tilespmem:$0x8000] =	vst v63  }
0x18: {  	s26 =	simm.s32 $0x180  }
0x19: {  	[tilespmem:s12], [sflag:$0x1] =	stream.indirect.gather [hbm4b:s3+s8], $0x10, s26, s8, $0xb8;
	[tilespmem:$0x8000] =	vst v63  }
0x1a: {  	s28 =	simm.s32 $0x200  }
0x1b: {  	[tilespmem:s13], [sflag:$0x1] =	stream.indirect.gather [hbm4b:s3+s8], $0x10, s28, s8, $0xb8;
	[tilespmem:$0x8000] =	vst v63  }
0x1c: {  	s29 =	simm.s32 $0x280  }
0x1d: {  	[tilespmem:s14], [sflag:$0x1] =	stream.indirect.gather [hbm4b:s3+s8], $0x10, s29, s8, $0xb8;
	[tilespmem:$0x8000] =	vst v63  }
0x1e: {  	s30 =	simm.s32 $0x300  }
0x1f: {  	[tilespmem:s15], [sflag:$0x1] =	stream.indirect.gather [hbm4b:s3+s8], $0x10, s30, s8, $0xb8;
	[tilespmem:$0x8000] =	vst v63  }
0x20: {  	s31 =	simm.s32 $0x380  }
0x21: {  	[tilespmem:s16], [sflag:$0x1] =	stream.indirect.gather [hbm4b:s3+s8], $0x10, s31, s8, $0xb8;
	[tilespmem:$0x8000] =	vst v63  }
0x22: {  	_ =	swait.ge [sflag:s17], $0x800  }
0x23: {  	[sflag:s17] =	ssyncset.done $0x0  }
0x24: {  	[sflag:s17] =	ssyncadd.s32 $0xFFFFF800  }
0x25: {  	_ =	swait.ge [sflag:s17], $0x800  }
0x26: {  	[sflag:s17] =	ssyncset.done $0x0  }
0x27: {  	[sflag:s17] =	ssyncadd.s32 $0xFFFFF800  }
0x28: {  	_ =	swait.ge [sflag:s17], $0x800  }
0x29: {  	[sflag:s17] =	ssyncset.done $0x0  }
0x2a: {  	[sflag:s17] =	ssyncadd.s32 $0xFFFFF800  }
0x2b: {  	_ =	swait.ge [sflag:s17], $0x800  }
0x2c: {  	[sflag:s17] =	ssyncset.done $0x0  }
0x2d: {  	[sflag:s17] =	ssyncadd.s32 $0xFFFFF800  }
0x2e: {  	_ =	swait.ge [sflag:s17], $0x800  }
0x2f: {  	[sflag:s17] =	ssyncset.done $0x0  }
0x30: {  	[sflag:s17] =	ssyncadd.s32 $0xFFFFF800  }
0x31: {  	_ =	swait.ge [sflag:s17], $0x800  }
0x32: {  	[sflag:s17] =	ssyncset.done $0x0  }
0x33: {  	[sflag:s17] =	ssyncadd.s32 $0xFFFFF800  }
0x34: {  	_ =	swait.ge [sflag:s17], $0x800  }
0x35: {  	[sflag:s17] =	ssyncset.done $0x0  }
0x36: {  	[sflag:s17] =	ssyncadd.s32 $0xFFFFF800  }
0x37: {  	_ =	swait.ge [sflag:s17], $0x800  }
0x38: {  	[sflag:s17] =	ssyncset.done $0x0  }
0x39: {  	[sflag:s17] =	ssyncadd.s32 $0xFFFFF800  }
0x3a: {  	[hbm4b:s6+s1] =	stream.linear.scatter [tilespmem:s9], [sflag:$0x2], $0x4000, $0x38;
	[tilespmem:$0x8000] =	vst v63  }
0x3b: {  	s20 =	simm.s32 $0x1000;
	_ =	swait.ge [sflag:s7], $0x4000  }
0x3c: {  	s22 =	simm.s32 $0x2000;
	s19 =	sadd.s32 $0x800, s6;
	[sflag:s7] =	ssyncset.done $0x0  }
.LBB2_2:
0x3d: {  	s23 =	sshra.s32 s20, $0x2  }
0x3e: {  	[sflag:s7] =	ssyncadd.s32 $0xFFFFC000;
	s20 =	smov.u32 s22;
	s21 =	sadd.s32 $0x1000, s22  }
0x3f: {  	[tilespmem:s9], [sflag:$0x1] =	stream.indirect.gather [hbm4b:s3+s8], $0x10, s23, s8, $0xb8;
	[tilespmem:$0x8000] =	vst v63  }
0x40: {  	p0 =	sne.s32 s22, $0xF000;
	s22 =	sadd.s32 $0x80, s23  }
0x41: {  	[tilespmem:s10], [sflag:$0x1] =	stream.indirect.gather [hbm4b:s3+s8], $0x10, s22, s8, $0xb8;
	[tilespmem:$0x8000] =	vst v63  }
0x42: {  	s22 =	sadd.s32 $0x100, s23  }
0x43: {  	[tilespmem:s11], [sflag:$0x1] =	stream.indirect.gather [hbm4b:s3+s8], $0x10, s22, s8, $0xb8;
	[tilespmem:$0x8000] =	vst v63  }
0x44: {  	s22 =	sadd.s32 $0x180, s23  }
0x45: {  	[tilespmem:s12], [sflag:$0x1] =	stream.indirect.gather [hbm4b:s3+s8], $0x10, s22, s8, $0xb8;
	[tilespmem:$0x8000] =	vst v63  }
0x46: {  	s22 =	sadd.s32 $0x200, s23  }
0x47: {  	[tilespmem:s13], [sflag:$0x1] =	stream.indirect.gather [hbm4b:s3+s8], $0x10, s22, s8, $0xb8;
	[tilespmem:$0x8000] =	vst v63  }
0x48: {  	s22 =	sadd.s32 $0x280, s23  }
0x49: {  	[tilespmem:s14], [sflag:$0x1] =	stream.indirect.gather [hbm4b:s3+s8], $0x10, s22, s8, $0xb8;
	[tilespmem:$0x8000] =	vst v63  }
0x4a: {  	s22 =	sadd.s32 $0x300, s23  }
0x4b: {  	[tilespmem:s15], [sflag:$0x1] =	stream.indirect.gather [hbm4b:s3+s8], $0x10, s22, s8, $0xb8;
	[tilespmem:$0x8000] =	vst v63  }
0x4c: {  	s22 =	sadd.s32 $0x380, s23  }
0x4d: {  	[tilespmem:s16], [sflag:$0x1] =	stream.indirect.gather [hbm4b:s3+s8], $0x10, s22, s8, $0xb8;
	[tilespmem:$0x8000] =	vst v63  }
0x4e: {  	_ =	swait.ge [sflag:s17], $0x800  }
0x4f: {  	[sflag:s17] =	ssyncset.done $0x0  }
0x50: {  	[sflag:s17] =	ssyncadd.s32 $0xFFFFF800  }
0x51: {  	_ =	swait.ge [sflag:s17], $0x800  }
0x52: {  	[sflag:s17] =	ssyncset.done $0x0  }
0x53: {  	[sflag:s17] =	ssyncadd.s32 $0xFFFFF800  }
0x54: {  	_ =	swait.ge [sflag:s17], $0x800  }
0x55: {  	[sflag:s17] =	ssyncset.done $0x0  }
0x56: {  	[sflag:s17] =	ssyncadd.s32 $0xFFFFF800  }
0x57: {  	_ =	swait.ge [sflag:s17], $0x800  }
0x58: {  	[sflag:s17] =	ssyncset.done $0x0  }
0x59: {  	[sflag:s17] =	ssyncadd.s32 $0xFFFFF800  }
0x5a: {  	_ =	swait.ge [sflag:s17], $0x800  }
0x5b: {  	[sflag:s17] =	ssyncset.done $0x0  }
0x5c: {  	[sflag:s17] =	ssyncadd.s32 $0xFFFFF800  }
0x5d: {  	_ =	swait.ge [sflag:s17], $0x800  }
0x5e: {  	[sflag:s17] =	ssyncset.done $0x0  }
0x5f: {  	[sflag:s17] =	ssyncadd.s32 $0xFFFFF800  }
0x60: {  	_ =	swait.ge [sflag:s17], $0x800  }
0x61: {  	[sflag:s17] =	ssyncset.done $0x0  }
0x62: {  	[sflag:s17] =	ssyncadd.s32 $0xFFFFF800  }
0x63: {  	_ =	swait.ge [sflag:s17], $0x800  }
.Ltmp0:
0x64: {  	[sflag:s17] =	ssyncset.done $0x0;
	(pc) =	sbr.rel @p0 .LBB2_2-.Ltmp0, $4  }
0x65: {  	[sflag:s17] =	ssyncadd.s32 $0xFFFFF800  }
0x66: {  	[hbm4b:s19+s1] =	stream.linear.scatter [tilespmem:s9], [sflag:$0x2], $0x4000, $0x38;
	[tilespmem:$0x8000] =	vst v63  }
0x67: {  	_ =	swait.ge [sflag:s7], $0x4000  }
0x68: {  	s22 =	smov.u32 s21;
	s19 =	sadd.s32 $0x800, s19;
	[sflag:s7] =	ssyncset.done $0x0  }
0x69: {  	s20 =	sshra.s32 s20, $0x2;
	[sflag:s7] =	ssyncadd.s32 $0xFFFFC000  }
0x6a: {  	[tilespmem:s9], [sflag:$0x1] =	stream.indirect.gather [hbm4b:s3+s8], $0x10, s20, s8, $0xb8;
	[tilespmem:$0x8000] =	vst v63  }
0x6b: {  	s21 =	sadd.s32 $0x80, s20  }
0x6c: {  	[tilespmem:s10], [sflag:$0x1] =	stream.indirect.gather [hbm4b:s3+s8], $0x10, s21, s8, $0xb8;
	[tilespmem:$0x8000] =	vst v63  }
0x6d: {  	s26 =	sadd.s32 $0x100, s20  }
0x6e: {  	[tilespmem:s11], [sflag:$0x1] =	stream.indirect.gather [hbm4b:s3+s8], $0x10, s26, s8, $0xb8;
	[tilespmem:$0x8000] =	vst v63  }
0x6f: {  	s28 =	sadd.s32 $0x180, s20  }
0x70: {  	[tilespmem:s12], [sflag:$0x1] =	stream.indirect.gather [hbm4b:s3+s8], $0x10, s28, s8, $0xb8;
	[tilespmem:$0x8000] =	vst v63  }
0x71: {  	s29 =	sadd.s32 $0x200, s20  }
0x72: {  	[tilespmem:s13], [sflag:$0x1] =	stream.indirect.gather [hbm4b:s3+s8], $0x10, s29, s8, $0xb8;
	[tilespmem:$0x8000] =	vst v63  }
0x73: {  	s30 =	sadd.s32 $0x280, s20  }
0x74: {  	[tilespmem:s14], [sflag:$0x1] =	stream.indirect.gather [hbm4b:s3+s8], $0x10, s30, s8, $0xb8;
	[tilespmem:$0x8000] =	vst v63  }
0x75: {  	s31 =	sadd.s32 $0x300, s20  }
0x76: {  	[tilespmem:s15], [sflag:$0x1] =	stream.indirect.gather [hbm4b:s3+s8], $0x10, s31, s8, $0xb8;
	[tilespmem:$0x8000] =	vst v63  }
0x77: {  	s20 =	sadd.s32 $0x380, s20  }
0x78: {  	[tilespmem:s16], [sflag:$0x1] =	stream.indirect.gather [hbm4b:s3+s8], $0x10, s20, s8, $0xb8;
	[tilespmem:$0x8000] =	vst v63  }
0x79: {  	_ =	swait.ge [sflag:s17], $0x800  }
0x7a: {  	[sflag:s17] =	ssyncset.done $0x0  }
0x7b: {  	[sflag:s17] =	ssyncadd.s32 $0xFFFFF800  }
0x7c: {  	_ =	swait.ge [sflag:s17], $0x800  }
0x7d: {  	[sflag:s17] =	ssyncset.done $0x0  }
0x7e: {  	[sflag:s17] =	ssyncadd.s32 $0xFFFFF800  }
0x7f: {  	_ =	swait.ge [sflag:s17], $0x800  }
0x80: {  	[sflag:s17] =	ssyncset.done $0x0  }
0x81: {  	[sflag:s17] =	ssyncadd.s32 $0xFFFFF800  }
0x82: {  	_ =	swait.ge [sflag:s17], $0x800  }
0x83: {  	[sflag:s17] =	ssyncset.done $0x0  }
0x84: {  	[sflag:s17] =	ssyncadd.s32 $0xFFFFF800  }
0x85: {  	_ =	swait.ge [sflag:s17], $0x800  }
0x86: {  	[sflag:s17] =	ssyncset.done $0x0  }
0x87: {  	[sflag:s17] =	ssyncadd.s32 $0xFFFFF800  }
0x88: {  	_ =	swait.ge [sflag:s17], $0x800  }
0x89: {  	[sflag:s17] =	ssyncset.done $0x0  }
0x8a: {  	[sflag:s17] =	ssyncadd.s32 $0xFFFFF800  }
0x8b: {  	_ =	swait.ge [sflag:s17], $0x800  }
0x8c: {  	[sflag:s17] =	ssyncset.done $0x0  }
0x8d: {  	[sflag:s17] =	ssyncadd.s32 $0xFFFFF800  }
0x8e: {  	s18 =	sadd.s32 $0x1, s18;
	_ =	swait.ge [sflag:s17], $0x800  }
0x8f: {  	p0 =	sne.s32 s18, s5;
	[sflag:s17] =	ssyncset.done $0x0  }
.Ltmp1:
0x90: {  	[sflag:s17] =	ssyncadd.s32 $0xFFFFF800;
	(pc) =	sbr.rel @p0 .LBB2_1-.Ltmp1, $4  }
0x91: {  	[hbm4b:s19+s1] =	stream.linear.scatter [tilespmem:s9], [sflag:$0x2], $0x4000, $0x38;
	[tilespmem:$0x8000] =	vst v63  }
0x92: {  	_ =	swait.ge [sflag:s7], $0x4000  }
0x93: {  	[sflag:s7] =	ssyncset.done $0x0  }
0x94: {  	[sflag:s7] =	ssyncadd.s32 $0xFFFFC000  }
0x95: {  	_ =	sfence.sel $0x180000  }
0x96: {  	[bflag:$0x0] =	sbarrier.arrive $0xFFFF  }
0x97: {  	p0 =	sne.s32 s2, $0x0;
	_ =	strace $0x90000047  }
0x98: {  	s0 =	sadd.s32 @!p0 $0x100000, s0;
	[bflag:$0x2] =	sbarrier.arrive $0xFFFF  }
0x99: {  	[sflag:s0] =	ssyncadd.tile.s32 @!p0 $0x1;
	_ =	shalt  }
.Lfunc_end2:
_tile_overlayer_lowered:
.L_overlay_start_2:
0x9a: {  	(tag) =	ssettag $0x2  }
0x9b: {  	s0 =	rddreg [dreg:$0x0];
	s2 =	stileid.u32  }
0x9c: {  	s1 =	rddreg [dreg:$0x1];
	p0 =	sne.s32 s2, $0x0  }
0x9d: {  	s3 =	rddreg [dreg:$0x2];
	[bflag:$0x3] =	sbarrier.arrive $0xFFFF;
	s2 =	simm.s32 @!p0 $0x1C02  }
0x9e: {  	[timem:s3], [sflag:s2] =	dma.local @!p0 [hbm:s0], s1  }
0x9f: {  	s0 =	simm.s32 @!p0 $0x2  }
0xa0: {  	_ =	swait.ge @!p0 [sflag:s0], s1  }
0xa1: {  	s1 =	ssub.s32 @!p0 $0x0, s1;
	[sflag:s0] =	ssyncset.done @!p0 $0x0  }
0xa2: {  	[sflag:s0] =	ssyncadd.s32 @!p0 s1  }
0xa3: {  	[bflag:$0x3] =	sbarrier.arrive $0xFFFF  }
0xa4: {  	_ =	shalt  }

// kernel: sparse-core-data-format-call.cloned.1.call-start
scs
called_computation_lowered:
.L_overlay_start_0:
0x0: {  	s2 =	sld [smem:$0x3FD9]  }
0x1: {  	s3 =	sld [smem:$0x3FFE];
	_ =	sdelay $0x1  }
0x2: {  	s1 =	srdreg.scid  }
0x3: {  	s0 =	sand.u32 $0x1, s1  }
0x4: {  	s18 =	sshll.u32 s0, $0xA;
	s2 =	sadd.s32 s3, s2  }
0x5: {  	s2 =	sadd.s32 s2, s18  }
0x6: {  	[smem:$0x3FC6] =	sst s2  }
0x7: {  	_ = 	snop  }
0x8: {  	s2 =	sld [smem:$0x3FD0];
	(tm) =	ssettm $0x1  }
0x9: {  	s19 =	sld [smem:$0x3FFB];
	_ =	sdelay $0x3  }
0xa: {  	_ =	strace s19  }
0xb: {  	s3 =	sld [smem:$0x3FFC];
	_ =	sdelay $0x3  }
0xc: {  	_ =	strace s3  }
0xd: {  	s3 =	sld [smem:$0x3FFD];
	_ =	sdelay $0x3  }
0xe: {  	_ =	strace s3  }
0xf: {  	_ =	strace $0x8FFFFFFF  }
0x10: {  	s20 =	sld [smem:$0x3FDB];
	_ =	sdelay $0x1  }
0x11: {  	s4 =	simm.s32 $_scs_section_size  }
0x12: {  	s5 =	simm.s32 $_size__tile_overlayer_lowered;
	s6 =	simm.s32 $_tile_overlayer_lowered  }
0x13: {  	s23 =	simm.s32 $0x1BFF;
	s22 =	sshll.u32 s6, $0x1;
	s3 =	sadd.s32 s4, s20  }
0x14: {  	s7 =	simm.s32 $0x0;
	s21 =	sshll.u32 s5, $0x1;
	s5 =	sadd.s32 s22, s3  }
0x15: {  	[timem:s7], [sflag:s23] =	dma.local [hbm:s5], s21  }
0x16: {  	_ =	swait.ge [sflag:s23], s21  }
0x17: {  	s4 =	ssub.s32 $0x0, s21;
	[sflag:s23] =	ssyncset.done $0x0  }
0x18: {  	[sflag:s23] =	ssyncadd.s32 s4;
	_ =	sdelay $0x1  }
0x19: {  	s24 =	simm.s32 $0x1B8B  }
0x1a: {  	_ =	swait.ge [sflag:s24], $0x1  }
0x1b: {  	[sflag:s24] =	ssyncset.done $0x0  }
0x1c: {  	s26 =	simm.s32 $0x1B8E;
	s25 =	sld [smem:$0x3FFE];
	[sflag:s24] =	ssyncadd.s32 $0xFFFFFFFF  }
0x1d: {  	s27 =	simm.s32 $execute0_lowered;
	[smem:$0x3FD2] =	sst s26  }
0x1e: {  	s5 =	sshll.u32 s27, $0x1;
	_ =	strace $0x80000049;
	[dreg:$0x1] =	wrdreg $0xFFFFFFFF  }
0x1f: {  	s28 =	simm.s32 $_size_execute0_lowered;
	s3 =	sadd.s32 s3, s5;
	[dreg:$0x0] =	wrdreg $0x0  }
0x20: {  	s5 =	sshll.u32 s28, $0x1;
	[dreg:$0x2] =	wrdreg s3  }
0x21: {  	[dreg:$0x3] =	wrdreg s5  }
0x22: {  	[dreg:$0x4] =	wrdreg $0xC0  }
0x23: {  	_ =	task [dreg:s7], $0x5FFFF  }
0x24: {  	[dreg:$0x1] =	wrdreg $0xFFFFFFFF  }
0x25: {  	[dreg:$0x0] =	wrdreg $0x60  }
0x26: {  	[dreg:$0x2] =	wrdreg s25  }
0x27: {  	[dreg:$0x3] =	wrdreg s2  }
0x28: {  	[dreg:$0x4] =	wrdreg $0x9  }
0x29: {  	_ =	task.clear_ibuf [dreg:s7], $0x5FFFF;
	_ =	strace $0x90000049  }
0x2a: {  	s29 =	simm.s32 $0x9;
	_ =	strace $0x8000004B  }
0x2b: {  	_ =	swait.ge [sflag:s29], $0x1  }
0x2c: {  	[sflag:s29] =	ssyncadd.s32 $0xFFFFFFFF  }
0x2d: {  	_ =	strace $0x9000004B  }
0x2e: {  	_ =	sfence  }
0x2f: {  	s30 =	sld [smem:$0x0];
	_ =	sdelay $0x2  }
0x30: {  	s31 =	sshll.u32 s1, $0xD;
	s1 =	sshrl.u32 s1, $0x2  }
0x31: {  	s3 =	sand.u32 $0x4000, s31;
	s1 =	sadd.s32 s1, s30  }
0x32: {  	s0 =	sor.u32 s3, s0;
	s1 =	sshll.u32 s1, $0x11  }
0x33: {  	s0 =	sor.u32 s1, s0  }
0x34: {  	s0 =	sadd.s32 $0x8F2B, s0  }
0x35: {  	[sflag:s0] =	ssyncadd.remote.s32 $0x1  }
0x36: {  	_ =	sfence.sel $0xFFFF  }
0x37: {  	[dreg:$0x0] =	wrdreg $0xFFFFFFFF;
	(pc) =	sbr.abs _section_cstart, $3  }
0x38: {  	[dreg:$0x1] =	wrdreg $0xFFFFFFFF  }
0x39: {  	_ =	task.clear_ibuf [dreg:s7], $0x2FFFF;
	_ =	strace $0x9FFFFFFF  }
0x3a: {  	(tm) =	ssettm $0x7FFFFFFF  }
0x3b: {  	_ =	shalt  }
tec
execute0_lowered:
.L_overlay_start_1:
0x0: {  	(tag) =	ssettag $0x1  }
0x1: {  	s0 =	srdreg.scid  }
0x2: {  	s1 =	sshll.u32 s0, $0x4  }
0x3: {  	s4 =	rddreg [dreg:$0x0];
	s0 =	stileid.u32;
	s1 =	sand.u32 $0x10, s1  }
0x4: {  	s2 =	rddreg [dreg:$0x1];
	s7 =	simm.s32 $0x1;
	s1 =	sor.u32 s0, s1  }
0x5: {  	s8 =	simm.s32 $0x2;
	s11 =	simm.s32 $0x0;
	s3 =	sshll.u32 s1, $0x7  }
0x6: {  	s10 =	simm.s32 $0x0;
	s4 =	sadd.s32 $0x800, s4;
	s6 =	ssub.s32 $0x80000, s3  }
.Ltmp0:
0x7: {  	s1 =	rddreg [dreg:$0x2];
	s5 =	sand.u32 $0xF80, s6;
	(pc) =	sbr.rel .LBB1_1-.Ltmp0, $4  }
0x8: {  	_ =	strace $0x8000004A;
	s9 =	smov.u32 s3;
	p0 =	sne.s32 s5, $0x0  }
0x9: {  	s6 =	sshrl.u32 s6, $0xC;
	s5 =	simm.s32 $0x1;
	s7 =	simm.s32 @!p0 $0x0  }
0xa: {  	[sflag:s5] =	ssyncpa.u1 $0x0;
	p0 =	por $0x0, $0x0;
	s6 =	sadd.s32 s7, s6  }
0xb: {  	[sflag:s8] =	ssyncpa.u1 $0x0;
	s8 =	simm.s32 $0x400000;
	s7 =	sadd.s32 $0x1, s6  }
.LBB1_4:
0xc: {  	[tilespmem:s12+$0xFFFFFFFC ss:$0x81] =	vst.msk $0xffff, v2;
	s14 =	sshll.u32 s11, $0x3  }
0xd: {  	[tilespmem:s12+$0xFFFFFFFD ss:$0x81] =	vst.msk $0xffff, v3;
	s15 =	sand.u32 $0x78, s11;
	s14 =	sand.u32 $0x7FC00, s14  }
0xe: {  	[tilespmem:s12+$0xFFFFFFFE ss:$0x81] =	vst.msk $0xffff, v1;
	s29 =	sand.u32 $0xF0000, s11;
	s30 =	sand.u32 $0x7, s11;
	s14 =	sor.u32 s15, s14  }
0xf: {  	[tilespmem:s12+$0xFFFFFFFF ss:$0x81] =	vst.msk $0xffff, v4;
	s11 =	sshll.u32 s30, $0x12;
	s15 =	sadd.s32 s2, s29;
	s14 =	sshrl.u32 s14, $0x3  }
0x10: {  	[tilespmem:s12+$0xFFFFFFF9 ss:$0x81] =	vst.msk $0xffff, v0;
	s11 =	sor.u32 $0x400, s11;
	s31 =	sadd.s32 s14, s15  }
0x11: {  	[hbm4b:s31+s11] =	stream.strided.scatter [tilespmem:s13], [sflag:$0x2], $0x800, s8, s11, $0x20;
	[tilespmem:$0x2020] =	vst v63  }
.LBB1_5:
0x12: {  	s13 =	sadd.s32 $0x1000, s9  }
0x13: {  	p2 =	sgt.s32 s13, $0x7FFFF  }
0x14: {  	s13 =	smov.u32 @p2 s3;
	p2 =	sne.s32 s10, s7  }
.Ltmp1:
0x15: {  	p1 =	slt.u32 s10, $0x2;
	(pc) =	sbr.rel @!p2 .LBB1_6-.Ltmp1, $4  }
0x16: {  	s12 =	simm.s32 @!p1 $0x2  }
0x17: {  	s14 =	sadd.s32 $0x1, s10;
	_ =	swait.ge @!p1 [sflag:s12], $0x800  }
0x18: {  	s11 =	smov.u32 s9;
	p0 =	por !p0, !p0;
	[sflag:s12] =	ssyncset.done @!p1 $0x0  }
0x19: {  	s10 =	smov.u32 s14;
	s9 =	smov.u32 s13;
	[sflag:s12] =	ssyncadd.s32 @!p1 $0xFFFFF800  }
.LBB1_1:
0x1a: {  	p1 =	sge.u32 s10, s6  }
0x1b: {  	s31 =	sadd.s32 $0xFFFFFFFF, s10;
	s12 =	sxor.u32 @!p1 $0xFFFFFFFF, s10;
	s13 =	sshll.u32 @!p1 s9, $0x4  }
0x1c: {  	s14 =	simm.s32 @!p1 $0x10;
	s12 =	sshll.u32 @!p1 s12, $0xB;
	s13 =	sand.u32 @!p1 $0x7FFFF0, s13  }
0x1d: {  	s15 =	simm.s32 @!p1 $0x80;
	s12 =	sand.u32 @!p1 $0x800, s12;
	s13 =	sadd.s32 @!p1 s4, s13  }
0x1e: {  	[tilespmem:s12], [sflag:$0x1] =	stream.strided.gather @!p1 [hbm4b:s13+s14], $0x800, s15, s14, $0x38;
	[tilespmem:$0x2020] =	vst v63  }
0x1f: {  	p1 =	sge.u32 s31, s6  }
.Ltmp2:
0x20: {  	_ = 	snop;
	(pc) =	sbr.rel @p1 .LBB1_5-.Ltmp2, $1  }
0x21: {  	_ =	sdelay $0x3  }
0x22: {  	s12 =	simm.s32 $0x1  }
0x23: {  	_ =	swait.ge [sflag:s5], $0x800;
	s12 =	simm.s32 @!p0 $0x0  }
0x24: {  	[sflag:s5] =	ssyncset.done $0x0;
	s13 =	sshll.u32 s12, $0xB  }
0x25: {  	[sflag:s5] =	ssyncadd.s32 $0xFFFFF800;
	s15 =	sor.u32 $0x40, s13  }
0x26: {  	v0 =	vld [tilespmem:s15+$0x30]  }
0x27: {  	s12 =	smul.u32 $0x2040, s12;
	v4 =	vld [tilespmem:s15+$0xFFFFFFD0]  }
0x28: {  	v5 =	vld [tilespmem:s15+$0xFFFFFFE0]  }
0x29: {  	s31 =	sand.u32 $0x1, s10;
	s12 =	sshrl.u32 s12, $0x2;
	v2 =	vld [tilespmem:s15+$0xFFFFFFF0]  }
0x2a: {  	s13 =	smul.u32 $0x2040, s31;
	v3 =	vld [tilespmem:s15+$0x0];
	s12 =	sor.u32 $0x1007, s12  }
0x2b: {  	v1 =	vld [tilespmem:s15+$0x10];
	[tilespmem:s12+$0x0 ss:$0x81] =	vst.msk $0xffff, v0  }
0x2c: {  	s13 =	sshrl.u32 s13, $0x2;
	[tilespmem:s12+$0xFFFFFFFA ss:$0x81] =	vst.msk $0xffff, v4;
	v4 =	vld [tilespmem:s15+$0x20]  }
0x2d: {  	s14 =	simm.s32 $0x0;
	s13 =	sor.u32 $0x1000, s13;
	v0 =	vld [tilespmem:s15+$0xFFFFFFC0];
	[tilespmem:s12+$0xFFFFFFFB ss:$0x81] =	vst.msk $0xffff, v5;
	s15 =	sadd.s32 $0x80, s15  }
.LBB1_3:
0x2e: {  	v5 =	vld [tilespmem:s15+$0x30];
	s14 =	sadd.s32 $0x8, s14;
	[tilespmem:s12+$0xFFFFFFFC ss:$0x81] =	vst.msk $0xffff, v2  }
0x2f: {  	v6 =	vld [tilespmem:s15+$0xFFFFFFD0];
	p1 =	slt.u32 s14, $0x78;
	[tilespmem:s12+$0xFFFFFFFD ss:$0x81] =	vst.msk $0xffff, v3  }
0x30: {  	v7 =	vld [tilespmem:s15+$0xFFFFFFE0];
	[tilespmem:s12+$0xFFFFFFFE ss:$0x81] =	vst.msk $0xffff, v1  }
.Ltmp3:
0x31: {  	v2 =	vld [tilespmem:s15+$0xFFFFFFF0];
	[tilespmem:s12+$0xFFFFFFFF ss:$0x81] =	vst.msk $0xffff, v4;
	(pc) =	sbr.rel @p1 .LBB1_3-.Ltmp3, $4  }
0x32: {  	v3 =	vld [tilespmem:s15+$0x0];
	[tilespmem:s12+$0xFFFFFFF9 ss:$0x81] =	vst.msk $0xffff, v0;
	s12 =	sadd.s32 $0x8, s12  }
0x33: {  	v1 =	vld [tilespmem:s15+$0x10];
	[tilespmem:s12+$0x0 ss:$0x81] =	vst.msk $0xffff, v5  }
0x34: {  	[tilespmem:s12+$0xFFFFFFFA ss:$0x81] =	vst.msk $0xffff, v6;
	v4 =	vld [tilespmem:s15+$0x20]  }
0x35: {  	v0 =	vld [tilespmem:s15+$0xFFFFFFC0];
	[tilespmem:s12+$0xFFFFFFFB ss:$0x81] =	vst.msk $0xffff, v7;
	s15 =	sadd.s32 $0x80, s15  }
.Ltmp4:
0x36: {  	_ = 	snop;
	(pc) =	sbr.rel .LBB1_4-.Ltmp4, $1  }
0x37: {  	_ =	sdelay $0x3  }
.LBB1_6:
0x38: {  	_ =	sfence.sel $0x180000  }
0x39: {  	s2 =	simm.s32 $0x1;
	[bflag:$0x0] =	sbarrier.arrive $0xFFFF  }
0x3a: {  	s31 =	simm.s32 $0x2;
	[sflag:s2] =	ssyncpa.u1 $0x1  }
0x3b: {  	[sflag:s31] =	ssyncpa.u1 $0x1  }
0x3c: {  	p0 =	sne.s32 s0, $0x0;
	_ =	strace $0x9000004A  }
0x3d: {  	s0 =	sadd.s32 @!p0 $0x100000, s1;
	[bflag:$0x2] =	sbarrier.arrive $0xFFFF  }
0x3e: {  	[sflag:s0] =	ssyncadd.tile.s32 @!p0 $0x1;
	_ =	shalt  }
.Lfunc_end1:
_tile_overlayer_lowered:
.L_overlay_start_2:
0x3f: {  	(tag) =	ssettag $0x2  }
0x40: {  	s0 =	rddreg [dreg:$0x0];
	s2 =	stileid.u32  }
0x41: {  	s1 =	rddreg [dreg:$0x1];
	p0 =	sne.s32 s2, $0x0  }
0x42: {  	s3 =	rddreg [dreg:$0x2];
	[bflag:$0x3] =	sbarrier.arrive $0xFFFF;
	s2 =	simm.s32 @!p0 $0x1C01  }
0x43: {  	[timem:s3], [sflag:s2] =	dma.local @!p0 [hbm:s0], s1  }
0x44: {  	s0 =	simm.s32 @!p0 $0x1  }
0x45: {  	_ =	swait.ge @!p0 [sflag:s0], s1  }
0x46: {  	s1 =	ssub.s32 @!p0 $0x0, s1;
	[sflag:s0] =	ssyncset.done @!p0 $0x0  }
0x47: {  	[sflag:s0] =	ssyncadd.s32 @!p0 s1  }
0x48: {  	[bflag:$0x3] =	sbarrier.arrive $0xFFFF  }
0x49: {  	_ =	shalt  }

</sc_bundles>
